<compile_context>
chip_gen: v7x
topology: tpu7x:2x2x1
jax: 0.10.2.dev20260603
libtpu: 0.0.44.dev20260713+nightly
codegen_flags: <defaults>
</compile_context>

<pallas_src>
import functools

import jax
import jax.numpy as jnp
from jax import lax
from jax.experimental import pallas as pl
from jax.experimental.pallas import tpu as pltpu
from jax.experimental.pallas import tpu_sc as plsc

_NC = 1
_NS = 16
_L = 16
_NW = _NC * _NS
_B = 16384
_CH = _B // _NW

_H = 10
_PERM = (6, 7, 8, 9, 0, 1, 5, 2, 3, 4)

_mesh = plsc.VectorSubcoreMesh(
    core_axis_name="c", subcore_axis_name="s", num_cores=_NC, num_subcores=_NS
)


@functools.partial(
    pl.kernel,
    out_type=jax.ShapeDtypeStruct((_B,), jnp.float32),
    mesh=_mesh,
    scratch_types=[
        pltpu.VMEM((_CH,), jnp.float32),
        pltpu.VMEM((_L,), jnp.float32),
        pltpu.VMEM((_L,), jnp.float32),
        pltpu.SemaphoreType.DMA,
        pltpu.SemaphoreType.DMA,
        pltpu.SemaphoreType.DMA,
    ],
)
def _sc_net(x_hbm, w1_hbm, w2_hbm, out_hbm, x_v, w1_v, w2_v, sx, s1, s2):
    wid = lax.axis_index("s") * _NC + lax.axis_index("c")
    base = wid * _CH
    cx = pltpu.async_copy(x_hbm.at[pl.ds(base, _CH)], x_v, sx)
    c1 = pltpu.async_copy(w1_hbm, w1_v.at[pl.ds(0, _H)], s1)
    c2 = pltpu.async_copy(w2_hbm, w2_v.at[pl.ds(0, _H)], s2)
    c1.wait()
    c2.wait()
    w1 = w1_v[...]
    w2 = w2_v[...]
    c = w2[0] * w1[_PERM[0]]
    for j in range(1, _H):
        c = c + w2[j] * w1[_PERM[j]]
    cx.wait()

    @pl.loop(0, _CH // _L, unroll=4)
    def _scale(j):
        sl = pl.ds(j * _L, _L)
        x_v[sl] = x_v[sl] * c

    pltpu.sync_copy(x_v, out_hbm.at[pl.ds(base, _CH)])


def kernel(x, W1, W2):
    y = _sc_net(x.reshape(_B), W1.reshape(_H), W2.reshape(_H))
    return y.reshape(_B, 1)

# --- scband reference (transcript-rebuilt; emitter-appended) ---
"""Pipeline reference for scband-net-27582279975355 (READ-ONLY COPY).

The authoritative reference and input builder live on the scoring server;
editing this copy changes nothing except your own understanding.
"""

import jax, jax.numpy as jnp
import numpy as np

# Net: fc1 (Linear 1->10, no bias) -> PermutePooledEmbeddings(embs_dims=[2,3,1,4], permute=[3,0,2,1]) -> fc2 (Linear 10->1, no bias)
# Pooled-embedding permute: input groups at offsets [0:2, 2:5, 5:6, 6:10];
# output = concat(group3, group0, group2, group1) along dim 1.

def setup_inputs(seed: int = 0) -> dict:
    key = jax.random.key(seed)
    k1, k2, k3 = jax.random.split(key, 3)
    x = jax.random.normal(k1, (16384, 1), dtype=jnp.float32)
    # fc1.weight: [out=10, in=1]; fc2.weight: [out=1, in=10] (PyTorch layout)
    W1 = jax.random.normal(k2, (10, 1), dtype=jnp.float32) * (1.0 / np.sqrt(1.0))
    W2 = jax.random.normal(k3, (1, 10), dtype=jnp.float32) * (1.0 / np.sqrt(10.0))
    return {"x": x, "W1": W1, "W2": W2}


def _permute_pooled(h):
    # embs_dims = [2, 3, 1, 4] -> offsets [0, 2, 5, 6, 10]
    g0 = h[:, 0:2]
    g1 = h[:, 2:5]
    g2 = h[:, 5:6]
    g3 = h[:, 6:10]
    # permute = [3, 0, 2, 1]: output order is group3, group0, group2, group1
    return jnp.concatenate([g3, g0, g2, g1], axis=1)


def reference(x, W1, W2):
    h = x @ W1.T            # [B, 10]
    p = _permute_pooled(h)  # [B, 10]
    out = p @ W2.T          # [B, 1]
    return out

if __name__ == "__main__":
    import jax
    _d = setup_inputs()
    print(jax.jit(kernel)(*tuple(_d.values())))

</pallas_src>

<mosaic_0001>
#map = affine_map<(d0, d1) -> (0)>
module attributes {stable_mosaic.version = 14 : i64} {
  func.func @_sc_net(%arg0: i32, %arg1: i32, %arg2: memref<16384xf32, #tpu.memory_space<hbm>>, %arg3: memref<10xf32, #tpu.memory_space<hbm>>, %arg4: memref<10xf32, #tpu.memory_space<hbm>>, %arg5: memref<16384xf32, #tpu.memory_space<hbm>>, %arg6: memref<1024xf32, #tpu.memory_space<vmem>>, %arg7: memref<16xf32, #tpu.memory_space<vmem>>, %arg8: memref<16xf32, #tpu.memory_space<vmem>>, %arg9: memref<!tpu.dma_semaphore, #tpu.memory_space<semaphore_mem>>, %arg10: memref<!tpu.dma_semaphore, #tpu.memory_space<semaphore_mem>>, %arg11: memref<!tpu.dma_semaphore, #tpu.memory_space<semaphore_mem>>) attributes {dimension_semantics = [#tpu.dimension_semantics<core_parallel>, #tpu.dimension_semantics<subcore_parallel>], iteration_bounds = array<i64: 1, 16>, scalar_prefetch = 0 : i64, scratch_operands = 6 : i64, tpu.core_type = #tpu.core_type<sc_vector_subcore>, window_params = [{transform_indices = #map}, {transform_indices = #map}, {transform_indices = #map}, {transform_indices = #map}]} {
    %mul3A = arith.constant 1 : i32
    %mul3A_0 = arith.muli %arg1, %mul3A : i32
    %add3A = arith.addi %mul3A_0, %arg0 : i32
    %mul3A_1 = arith.constant 1024 : i32
    %mul3A_2 = arith.muli %add3A, %mul3A_1 : i32
    %dma_start3A = tpu.memref_slice %arg2[%mul3A_2] : memref<16384xf32, #tpu.memory_space<hbm>> -> memref<1024xf32, #tpu.memory_space<hbm>>
    %dma_start3A_3 = tpu.memref_slice %arg2[%mul3A_2] : memref<16384xf32, #tpu.memory_space<hbm>> -> memref<1024xf32, #tpu.memory_space<hbm>>
    tpu.enqueue_dma source(%dma_start3A_3 : memref<1024xf32, #tpu.memory_space<hbm>>) target(%arg6 : memref<1024xf32, #tpu.memory_space<vmem>>) target_semaphore(%arg9 : memref<!tpu.dma_semaphore, #tpu.memory_space<semaphore_mem>>)
    %dma_start3A_4 = arith.constant 0 : i32
    %dma_start3A_5 = tpu.memref_slice %arg7[%dma_start3A_4] : memref<16xf32, #tpu.memory_space<vmem>> -> memref<10xf32, #tpu.memory_space<vmem>>
    %dma_start3A_6 = arith.constant 0 : i32
    %dma_start3A_7 = tpu.memref_slice %arg7[%dma_start3A_6] : memref<16xf32, #tpu.memory_space<vmem>> -> memref<10xf32, #tpu.memory_space<vmem>>
    tpu.enqueue_dma source(%arg3 : memref<10xf32, #tpu.memory_space<hbm>>) target(%dma_start3A_7 : memref<10xf32, #tpu.memory_space<vmem>>) target_semaphore(%arg10 : memref<!tpu.dma_semaphore, #tpu.memory_space<semaphore_mem>>)
    %dma_start3A_8 = arith.constant 0 : i32
    %dma_start3A_9 = tpu.memref_slice %arg8[%dma_start3A_8] : memref<16xf32, #tpu.memory_space<vmem>> -> memref<10xf32, #tpu.memory_space<vmem>>
    %dma_start3A_10 = arith.constant 0 : i32
    %dma_start3A_11 = tpu.memref_slice %arg8[%dma_start3A_10] : memref<16xf32, #tpu.memory_space<vmem>> -> memref<10xf32, #tpu.memory_space<vmem>>
    tpu.enqueue_dma source(%arg4 : memref<10xf32, #tpu.memory_space<hbm>>) target(%dma_start3A_11 : memref<10xf32, #tpu.memory_space<vmem>>) target_semaphore(%arg11 : memref<!tpu.dma_semaphore, #tpu.memory_space<semaphore_mem>>)
    %dma_wait3A = arith.constant 0 : i32
    %dma_wait3A_12 = tpu.memref_slice %arg7[%dma_wait3A] : memref<16xf32, #tpu.memory_space<vmem>> -> memref<10xf32, #tpu.memory_space<vmem>>
    %dma_wait3A_13 = arith.constant 0 : i32
    %dma_wait3A_14 = tpu.memref_slice %arg7[%dma_wait3A_13] : memref<16xf32, #tpu.memory_space<vmem>> -> memref<10xf32, #tpu.memory_space<vmem>>
    tpu.wait_dma2 semaphore(%arg10 : memref<!tpu.dma_semaphore, #tpu.memory_space<semaphore_mem>>) src(%arg3 : memref<10xf32, #tpu.memory_space<hbm>>) dst(%dma_wait3A_14 : memref<10xf32, #tpu.memory_space<vmem>>)
    %dma_wait3A_15 = arith.constant 0 : i32
    %dma_wait3A_16 = tpu.memref_slice %arg8[%dma_wait3A_15] : memref<16xf32, #tpu.memory_space<vmem>> -> memref<10xf32, #tpu.memory_space<vmem>>
    %dma_wait3A_17 = arith.constant 0 : i32
    %dma_wait3A_18 = tpu.memref_slice %arg8[%dma_wait3A_17] : memref<16xf32, #tpu.memory_space<vmem>> -> memref<10xf32, #tpu.memory_space<vmem>>
    tpu.wait_dma2 semaphore(%arg11 : memref<!tpu.dma_semaphore, #tpu.memory_space<semaphore_mem>>) src(%arg4 : memref<10xf32, #tpu.memory_space<hbm>>) dst(%dma_wait3A_18 : memref<10xf32, #tpu.memory_space<vmem>>)
    %get3A = arith.constant 0 : index
    %get3A_19 = tpu.vector_load %arg7[%get3A] {strides = array<i32>} : memref<16xf32, #tpu.memory_space<vmem>>, vector<16xf32>,
    %get3A_20 = vector.shape_cast %get3A_19 : vector<16xf32> to vector<16xf32>
    %get3A_21 = arith.constant 0 : index
    %get3A_22 = tpu.vector_load %arg8[%get3A_21] {strides = array<i32>} : memref<16xf32, #tpu.memory_space<vmem>>, vector<16xf32>,
    %get3A_23 = vector.shape_cast %get3A_22 : vector<16xf32> to vector<16xf32>
    %slice3A = vector.extract_strided_slice %get3A_23 {offsets = [0], sizes = [1], strides = [1]} : vector<16xf32> to vector<1xf32>
    %squeeze3A = vector.extract %slice3A[0] : f32 from vector<1xf32>
    %slice3A_24 = vector.extract_strided_slice %get3A_20 {offsets = [6], sizes = [1], strides = [1]} : vector<16xf32> to vector<1xf32>
    %squeeze3A_25 = vector.extract %slice3A_24[0] : f32 from vector<1xf32>
    %mul3A_26 = arith.mulf %squeeze3A, %squeeze3A_25 : f32
    %slice3A_27 = vector.extract_strided_slice %get3A_23 {offsets = [1], sizes = [1], strides = [1]} : vector<16xf32> to vector<1xf32>
    %squeeze3A_28 = vector.extract %slice3A_27[0] : f32 from vector<1xf32>
    %slice3A_29 = vector.extract_strided_slice %get3A_20 {offsets = [7], sizes = [1], strides = [1]} : vector<16xf32> to vector<1xf32>
    %squeeze3A_30 = vector.extract %slice3A_29[0] : f32 from vector<1xf32>
    %mul3A_31 = arith.mulf %squeeze3A_28, %squeeze3A_30 : f32
    %add3A_32 = arith.addf %mul3A_26, %mul3A_31 : f32
    %slice3A_33 = vector.extract_strided_slice %get3A_23 {offsets = [2], sizes = [1], strides = [1]} : vector<16xf32> to vector<1xf32>
    %squeeze3A_34 = vector.extract %slice3A_33[0] : f32 from vector<1xf32>
    %slice3A_35 = vector.extract_strided_slice %get3A_20 {offsets = [8], sizes = [1], strides = [1]} : vector<16xf32> to vector<1xf32>
    %squeeze3A_36 = vector.extract %slice3A_35[0] : f32 from vector<1xf32>
    %mul3A_37 = arith.mulf %squeeze3A_34, %squeeze3A_36 : f32
    %add3A_38 = arith.addf %add3A_32, %mul3A_37 : f32
    %slice3A_39 = vector.extract_strided_slice %get3A_23 {offsets = [3], sizes = [1], strides = [1]} : vector<16xf32> to vector<1xf32>
    %squeeze3A_40 = vector.extract %slice3A_39[0] : f32 from vector<1xf32>
    %slice3A_41 = vector.extract_strided_slice %get3A_20 {offsets = [9], sizes = [1], strides = [1]} : vector<16xf32> to vector<1xf32>
    %squeeze3A_42 = vector.extract %slice3A_41[0] : f32 from vector<1xf32>
    %mul3A_43 = arith.mulf %squeeze3A_40, %squeeze3A_42 : f32
    %add3A_44 = arith.addf %add3A_38, %mul3A_43 : f32
    %slice3A_45 = vector.extract_strided_slice %get3A_23 {offsets = [4], sizes = [1], strides = [1]} : vector<16xf32> to vector<1xf32>
    %squeeze3A_46 = vector.extract %slice3A_45[0] : f32 from vector<1xf32>
    %slice3A_47 = vector.extract_strided_slice %get3A_20 {offsets = [0], sizes = [1], strides = [1]} : vector<16xf32> to vector<1xf32>
    %squeeze3A_48 = vector.extract %slice3A_47[0] : f32 from vector<1xf32>
    %mul3A_49 = arith.mulf %squeeze3A_46, %squeeze3A_48 : f32
    %add3A_50 = arith.addf %add3A_44, %mul3A_49 : f32
    %slice3A_51 = vector.extract_strided_slice %get3A_23 {offsets = [5], sizes = [1], strides = [1]} : vector<16xf32> to vector<1xf32>
    %squeeze3A_52 = vector.extract %slice3A_51[0] : f32 from vector<1xf32>
    %slice3A_53 = vector.extract_strided_slice %get3A_20 {offsets = [1], sizes = [1], strides = [1]} : vector<16xf32> to vector<1xf32>
    %squeeze3A_54 = vector.extract %slice3A_53[0] : f32 from vector<1xf32>
    %mul3A_55 = arith.mulf %squeeze3A_52, %squeeze3A_54 : f32
    %add3A_56 = arith.addf %add3A_50, %mul3A_55 : f32
    %slice3A_57 = vector.extract_strided_slice %get3A_23 {offsets = [6], sizes = [1], strides = [1]} : vector<16xf32> to vector<1xf32>
    %squeeze3A_58 = vector.extract %slice3A_57[0] : f32 from vector<1xf32>
    %slice3A_59 = vector.extract_strided_slice %get3A_20 {offsets = [5], sizes = [1], strides = [1]} : vector<16xf32> to vector<1xf32>
    %squeeze3A_60 = vector.extract %slice3A_59[0] : f32 from vector<1xf32>
    %mul3A_61 = arith.mulf %squeeze3A_58, %squeeze3A_60 : f32
    %add3A_62 = arith.addf %add3A_56, %mul3A_61 : f32
    %slice3A_63 = vector.extract_strided_slice %get3A_23 {offsets = [7], sizes = [1], strides = [1]} : vector<16xf32> to vector<1xf32>
    %squeeze3A_64 = vector.extract %slice3A_63[0] : f32 from vector<1xf32>
    %slice3A_65 = vector.extract_strided_slice %get3A_20 {offsets = [2], sizes = [1], strides = [1]} : vector<16xf32> to vector<1xf32>
    %squeeze3A_66 = vector.extract %slice3A_65[0] : f32 from vector<1xf32>
    %mul3A_67 = arith.mulf %squeeze3A_64, %squeeze3A_66 : f32
    %add3A_68 = arith.addf %add3A_62, %mul3A_67 : f32
    %slice3A_69 = vector.extract_strided_slice %get3A_23 {offsets = [8], sizes = [1], strides = [1]} : vector<16xf32> to vector<1xf32>
    %squeeze3A_70 = vector.extract %slice3A_69[0] : f32 from vector<1xf32>
    %slice3A_71 = vector.extract_strided_slice %get3A_20 {offsets = [3], sizes = [1], strides = [1]} : vector<16xf32> to vector<1xf32>
    %squeeze3A_72 = vector.extract %slice3A_71[0] : f32 from vector<1xf32>
    %mul3A_73 = arith.mulf %squeeze3A_70, %squeeze3A_72 : f32
    %add3A_74 = arith.addf %add3A_68, %mul3A_73 : f32
    %slice3A_75 = vector.extract_strided_slice %get3A_23 {offsets = [9], sizes = [1], strides = [1]} : vector<16xf32> to vector<1xf32>
    %squeeze3A_76 = vector.extract %slice3A_75[0] : f32 from vector<1xf32>
    %slice3A_77 = vector.extract_strided_slice %get3A_20 {offsets = [4], sizes = [1], strides = [1]} : vector<16xf32> to vector<1xf32>
    %squeeze3A_78 = vector.extract %slice3A_77[0] : f32 from vector<1xf32>
    %mul3A_79 = arith.mulf %squeeze3A_76, %squeeze3A_78 : f32
    %add3A_80 = arith.addf %add3A_74, %mul3A_79 : f32
    %dma_wait3A_81 = tpu.memref_slice %arg2[%mul3A_2] : memref<16384xf32, #tpu.memory_space<hbm>> -> memref<1024xf32, #tpu.memory_space<hbm>>
    %dma_wait3A_82 = tpu.memref_slice %arg2[%mul3A_2] : memref<16384xf32, #tpu.memory_space<hbm>> -> memref<1024xf32, #tpu.memory_space<hbm>>
    tpu.wait_dma2 semaphore(%arg9 : memref<!tpu.dma_semaphore, #tpu.memory_space<semaphore_mem>>) src(%dma_wait3A_82 : memref<1024xf32, #tpu.memory_space<hbm>>) dst(%arg6 : memref<1024xf32, #tpu.memory_space<vmem>>)
    %scan3A = arith.constant 0 : i32
    %scan3A_83 = arith.constant 64 : i32
    %scan3A_84 = arith.addi %scan3A, %scan3A_83 : i32
    %scan3A_85 = arith.constant 4 : i32
    scf.for %scan3A_87 = %scan3A to %scan3A_84 step %scan3A_85  : i32 {
      %mul3A_88 = arith.constant 1 : i32
      %mul3A_89 = arith.muli %scan3A_87, %mul3A_88 : i32
      %add3A_90 = arith.constant 0 : i32
      %add3A_91 = arith.addi %add3A_90, %mul3A_89 : i32
      %mul3A_92 = arith.constant 16 : i32
      %mul3A_93 = arith.muli %add3A_91, %mul3A_92 : i32
      %get3A_94 = arith.index_cast %mul3A_93 : i32 to index
      %get3A_95 = tpu.vector_load %arg6[%get3A_94] {strides = array<i32>} : memref<1024xf32, #tpu.memory_space<vmem>>, vector<16xf32>,
      %get3A_96 = vector.shape_cast %get3A_95 : vector<16xf32> to vector<16xf32>
      %mul3A_97 = vector.broadcast %add3A_80 : f32 to vector<16xf32>
      %mul3A_98 = arith.mulf %get3A_96, %mul3A_97 : vector<16xf32>
      %swap3A = arith.index_cast %mul3A_93 : i32 to index
      %swap3A_99 = tpu.vector_load %arg6[%swap3A] {strides = array<i32>} : memref<1024xf32, #tpu.memory_space<vmem>>, vector<16xf32>,
      %swap3A_100 = vector.shape_cast %swap3A_99 : vector<16xf32> to vector<16xf32>
      %swap3A_101 = vector.shape_cast %mul3A_98 : vector<16xf32> to vector<16xf32>
      tpu.vector_store %arg6[%swap3A], %swap3A_101 {strides = array<i32>} : memref<1024xf32, #tpu.memory_space<vmem>>, vector<16xf32>,
      %scan3A_102 = arith.constant 1 : i32
      %scan3A_103 = arith.addi %scan3A_87, %scan3A_102 : i32
      %mul3A_104 = arith.constant 1 : i32
      %mul3A_105 = arith.muli %scan3A_103, %mul3A_104 : i32
      %add3A_106 = arith.constant 0 : i32
      %add3A_107 = arith.addi %add3A_106, %mul3A_105 : i32
      %mul3A_108 = arith.constant 16 : i32
      %mul3A_109 = arith.muli %add3A_107, %mul3A_108 : i32
      %get3A_110 = arith.index_cast %mul3A_109 : i32 to index
      %get3A_111 = tpu.vector_load %arg6[%get3A_110] {strides = array<i32>} : memref<1024xf32, #tpu.memory_space<vmem>>, vector<16xf32>,
      %get3A_112 = vector.shape_cast %get3A_111 : vector<16xf32> to vector<16xf32>
      %mul3A_113 = vector.broadcast %add3A_80 : f32 to vector<16xf32>
      %mul3A_114 = arith.mulf %get3A_112, %mul3A_113 : vector<16xf32>
      %swap3A_115 = arith.index_cast %mul3A_109 : i32 to index
      %swap3A_116 = tpu.vector_load %arg6[%swap3A_115] {strides = array<i32>} : memref<1024xf32, #tpu.memory_space<vmem>>, vector<16xf32>,
      %swap3A_117 = vector.shape_cast %swap3A_116 : vector<16xf32> to vector<16xf32>
      %swap3A_118 = vector.shape_cast %mul3A_114 : vector<16xf32> to vector<16xf32>
      tpu.vector_store %arg6[%swap3A_115], %swap3A_118 {strides = array<i32>} : memref<1024xf32, #tpu.memory_space<vmem>>, vector<16xf32>,
      %scan3A_119 = arith.constant 2 : i32
      %scan3A_120 = arith.addi %scan3A_87, %scan3A_119 : i32
      %mul3A_121 = arith.constant 1 : i32
      %mul3A_122 = arith.muli %scan3A_120, %mul3A_121 : i32
      %add3A_123 = arith.constant 0 : i32
      %add3A_124 = arith.addi %add3A_123, %mul3A_122 : i32
      %mul3A_125 = arith.constant 16 : i32
      %mul3A_126 = arith.muli %add3A_124, %mul3A_125 : i32
      %get3A_127 = arith.index_cast %mul3A_126 : i32 to index
      %get3A_128 = tpu.vector_load %arg6[%get3A_127] {strides = array<i32>} : memref<1024xf32, #tpu.memory_space<vmem>>, vector<16xf32>,
      %get3A_129 = vector.shape_cast %get3A_128 : vector<16xf32> to vector<16xf32>
      %mul3A_130 = vector.broadcast %add3A_80 : f32 to vector<16xf32>
      %mul3A_131 = arith.mulf %get3A_129, %mul3A_130 : vector<16xf32>
      %swap3A_132 = arith.index_cast %mul3A_126 : i32 to index
      %swap3A_133 = tpu.vector_load %arg6[%swap3A_132] {strides = array<i32>} : memref<1024xf32, #tpu.memory_space<vmem>>, vector<16xf32>,
      %swap3A_134 = vector.shape_cast %swap3A_133 : vector<16xf32> to vector<16xf32>
      %swap3A_135 = vector.shape_cast %mul3A_131 : vector<16xf32> to vector<16xf32>
      tpu.vector_store %arg6[%swap3A_132], %swap3A_135 {strides = array<i32>} : memref<1024xf32, #tpu.memory_space<vmem>>, vector<16xf32>,
      %scan3A_136 = arith.constant 3 : i32
      %scan3A_137 = arith.addi %scan3A_87, %scan3A_136 : i32
      %mul3A_138 = arith.constant 1 : i32
      %mul3A_139 = arith.muli %scan3A_137, %mul3A_138 : i32
      %add3A_140 = arith.constant 0 : i32
      %add3A_141 = arith.addi %add3A_140, %mul3A_139 : i32
      %mul3A_142 = arith.constant 16 : i32
      %mul3A_143 = arith.muli %add3A_141, %mul3A_142 : i32
      %get3A_144 = arith.index_cast %mul3A_143 : i32 to index
      %get3A_145 = tpu.vector_load %arg6[%get3A_144] {strides = array<i32>} : memref<1024xf32, #tpu.memory_space<vmem>>, vector<16xf32>,
      %get3A_146 = vector.shape_cast %get3A_145 : vector<16xf32> to vector<16xf32>
      %mul3A_147 = vector.broadcast %add3A_80 : f32 to vector<16xf32>
      %mul3A_148 = arith.mulf %get3A_146, %mul3A_147 : vector<16xf32>
      %swap3A_149 = arith.index_cast %mul3A_143 : i32 to index
      %swap3A_150 = tpu.vector_load %arg6[%swap3A_149] {strides = array<i32>} : memref<1024xf32, #tpu.memory_space<vmem>>, vector<16xf32>,
      %swap3A_151 = vector.shape_cast %swap3A_150 : vector<16xf32> to vector<16xf32>
      %swap3A_152 = vector.shape_cast %mul3A_148 : vector<16xf32> to vector<16xf32>
      tpu.vector_store %arg6[%swap3A_149], %swap3A_152 {strides = array<i32>} : memref<1024xf32, #tpu.memory_space<vmem>>, vector<16xf32>,
    }
    %scan3A_86 = arith.constant 64 : i32
    "tpu.region"() ({
      %run_scoped3A = tpu.sem_alloc : memref<!tpu.dma_semaphore, #tpu.memory_space<semaphore_mem>>
      %dma_start3A_87 = tpu.memref_slice %arg5[%mul3A_2] : memref<16384xf32, #tpu.memory_space<hbm>> -> memref<1024xf32, #tpu.memory_space<hbm>>
      %dma_start3A_88 = tpu.memref_slice %arg5[%mul3A_2] : memref<16384xf32, #tpu.memory_space<hbm>> -> memref<1024xf32, #tpu.memory_space<hbm>>
      tpu.enqueue_dma source(%arg6 : memref<1024xf32, #tpu.memory_space<vmem>>) target(%dma_start3A_88 : memref<1024xf32, #tpu.memory_space<hbm>>) target_semaphore(%run_scoped3A : memref<!tpu.dma_semaphore, #tpu.memory_space<semaphore_mem>>)
      %dma_wait3A_89 = tpu.memref_slice %arg5[%mul3A_2] : memref<16384xf32, #tpu.memory_space<hbm>> -> memref<1024xf32, #tpu.memory_space<hbm>>
      %dma_wait3A_90 = tpu.memref_slice %arg5[%mul3A_2] : memref<16384xf32, #tpu.memory_space<hbm>> -> memref<1024xf32, #tpu.memory_space<hbm>>
      tpu.wait_dma2 semaphore(%run_scoped3A : memref<!tpu.dma_semaphore, #tpu.memory_space<semaphore_mem>>) src(%arg6 : memref<1024xf32, #tpu.memory_space<vmem>>) dst(%dma_wait3A_90 : memref<1024xf32, #tpu.memory_space<hbm>>)
      tpu.yield
    }) : () -> ()
    return
  }
}

</mosaic_0001>

<sc_bundles>
// kernel: kernel.3.cloned.1.call-start
scs
__scs_entry_jumppad:
0x0: {  	(pc) =	sbr.rel $0x88, $3  }
0x1: {  	(tag) =	ssettag $0x0;
	lr =	simm.s32 $0x1  }
0x2: {  	[smem:$0x3F9E] =	sst lr;
	_ =	strace $0xD0000000  }
0x3: {  	_ = 	snop  }
0x4: {  	_ = 	snop  }
0x5: {  	_ = 	snop  }
0x6: {  	_ = 	snop  }
0x7: {  	_ = 	snop  }
__scs_overlays_trampoline_lowered:
0x8: {  	[smem:$0x3FAD] =	sst s0  }
0x9: {  	[smem:$0x3FAE] =	sst s1  }
0xa: {  	[smem:$0x3FAF] =	sst s2  }
0xb: {  	[smem:$0x3FB0] =	sst s3  }
0xc: {  	[smem:$0x3FB1] =	sst s4  }
0xd: {  	[smem:$0x3FB2] =	sst s5  }
0xe: {  	[smem:$0x3FB3] =	sst s6  }
0xf: {  	[smem:$0x3FB4] =	sst s7  }
0x10: {  	[smem:$0x3FB5] =	sst s8  }
0x11: {  	[smem:$0x3FB6] =	sst s9;
	s0 =	simm.s32 @!p0 $0x0  }
0x12: {  	s1 =	sld [smem:$0x3F9C];
	s0 =	simm.s32 @p0 $0x1  }
0x13: {  	[smem:$0x3FB7] =	sst s0;
	s0 =	simm.s32 @!p1 $0x0  }
0x14: {  	s2 =	sld [smem:$0x3F9B];
	s0 =	simm.s32 @p1 $0x1  }
0x15: {  	[smem:$0x3FB8] =	sst s0;
	s0 =	simm.s32 @!p2 $0x0  }
0x16: {  	s3 =	sld [smem:$0x3FDB];
	s0 =	simm.s32 @p2 $0x1  }
0x17: {  	s4 =	simm.s32 $0x1BF5;
	[smem:$0x3FBA] =	sst s0  }
0x18: {  	s0 =	sld [smem:$0x3F9D];
	_ =	swait.ge [sflag:s4], $0x0  }
0x19: {  	s7 =	sld [smem:$0x3F9E]  }
0x1a: {  	s8 =	sadd.s32 $0xFFFFE003, lr  }
0x1b: {  	s9 =	sadd.s32 $0xFFFFFEF7, lr;
	s5 =	simm.s32 $0xFFFFFFFF;
	p2 =	slt.u32 s8, $0xFFFFF086  }
0x1c: {  	p1 =	slt.u32 s9, $0xF7A;
	s5 =	simm.s32 @!p2 $0x0  }
0x1d: {  	s5 =	simm.s32 @p1 $0x1;
	p0 =	seq.s32 s7, s2  }
0x1e: {  	s7 =	smul.u32 @!p0 $0xF7A, s2;
	p2 =	seq.s32 @!p0 s5, $0x0  }
0x1f: {  	s9 =	smul.u32 $0xF7A, s1;
	s8 =	simm.s32 @!p0 $0x1BF5;
	p2 =	por !p2, p0  }
0x20: {  	[sflag:s8] =	ssyncset.s32 @!p0 $0xFFFFF086;
	s6 =	sadd.s32 @!p0 s3, s7;
	s7 =	simm.s32 @!p0 $0x108  }
0x21: {  	s3 =	sadd.s32 s3, s9;
	s6 =	sadd.s32 @!p0 $0x88, s6;
	s7 =	simm.s32 @p2 $0x1082  }
0x22: {  	[simem:s7], [sflag:s8] =	dma.local @!p0 [hbm:s6], $0xF7A  }
0x23: {  	s9 =	sor.u32 $0xD0000000, s2;
	s6 =	simm.s32 $0x108;
	_ =	swait.ge @!p0 [sflag:s8], $0x0  }
0x24: {  	s3 =	sadd.s32 $0x88, s3;
	s6 =	simm.s32 @!p1 $0x1082;
	[sflag:s4] =	ssyncset.s32 $0xFFFFF086  }
0x25: {  	[simem:s6], [sflag:s4] =	dma.local [hbm:s3], $0xF7A  }
0x26: {  	[smem:$0x3F9E] =	sst s1;
	(tag) =	ssettag s2;
	_ =	strace s9  }
0x27: {  	s1 =	sld [smem:$0x3FAE]  }
0x28: {  	s2 =	sld [smem:$0x3FAF]  }
0x29: {  	s4 =	sld [smem:$0x3FB1]  }
0x2a: {  	p0 =	seq.s32 s5, $0x0;
	s5 =	sld [smem:$0x3FB2]  }
0x2b: {  	s6 =	sld [smem:$0x3FB3]  }
0x2c: {  	s7 =	sld [smem:$0x3FB4]  }
0x2d: {  	s3 =	simm.s32 $0x108;
	s8 =	sld [smem:$0x3FB5]  }
0x2e: {  	s3 =	simm.s32 @!p0 $0x1082;
	s9 =	sld [smem:$0x3FB6]  }
0x2f: {  	lr =	sadd.s32 s0, s3;
	s0 =	sld [smem:$0x3FAD]  }
0x30: {  	s3 =	sld [smem:$0x3FB0]  }
0x31: {  	[smem:$0x3FB9] =	sst s10  }
0x32: {  	s10 =	sld [smem:$0x3FB7];
	_ =	sdelay $0x3  }
0x33: {  	p0 =	seq.s32 s10, $0x1;
	s10 =	sld [smem:$0x3FB9];
	_ =	sdelay $0x3  }
0x34: {  	[smem:$0x3FB9] =	sst s10  }
0x35: {  	s10 =	sld [smem:$0x3FB8];
	_ =	sdelay $0x3  }
0x36: {  	p1 =	seq.s32 s10, $0x1;
	s10 =	sld [smem:$0x3FB9];
	_ =	sdelay $0x3  }
0x37: {  	[smem:$0x3FB9] =	sst s10  }
0x38: {  	s10 =	sld [smem:$0x3FBA]  }
0x39: {  	_ = 	snop;
	(pc) =	sbr.ind lr, $3  }
0x3a: {  	_ = 	snop  }
0x3b: {  	_ = 	snop  }
0x3c: {  	p2 =	seq.s32 s10, $0x1;
	s10 =	sld [smem:$0x3FB9]  }
0x3d: {  	_ =	shalt  }
0x3e: {  	_ =	shalt  }
0x3f: {  	_ =	shalt  }
0x40: {  	_ =	shalt  }
0x41: {  	_ =	shalt  }
0x42: {  	_ =	shalt  }
0x43: {  	_ =	shalt  }
0x44: {  	_ =	shalt  }
0x45: {  	_ =	shalt  }
0x46: {  	_ =	shalt  }
0x47: {  	_ =	shalt  }
0x48: {  	_ =	shalt  }
0x49: {  	_ =	shalt  }
0x4a: {  	_ =	shalt  }
0x4b: {  	_ =	shalt  }
0x4c: {  	_ =	shalt  }
0x4d: {  	_ =	shalt  }
0x4e: {  	_ =	shalt  }
0x4f: {  	_ =	shalt  }
0x50: {  	_ =	shalt  }
0x51: {  	_ =	shalt  }
0x52: {  	_ =	shalt  }
0x53: {  	_ =	shalt  }
0x54: {  	_ =	shalt  }
0x55: {  	_ =	shalt  }
0x56: {  	_ =	shalt  }
0x57: {  	_ =	shalt  }
0x58: {  	_ =	shalt  }
0x59: {  	_ =	shalt  }
0x5a: {  	_ =	shalt  }
0x5b: {  	_ =	shalt  }
0x5c: {  	_ =	shalt  }
0x5d: {  	_ =	shalt  }
0x5e: {  	_ =	shalt  }
0x5f: {  	_ =	shalt  }
0x60: {  	_ =	shalt  }
0x61: {  	_ =	shalt  }
0x62: {  	_ =	shalt  }
0x63: {  	_ =	shalt  }
0x64: {  	_ =	shalt  }
0x65: {  	_ =	shalt  }
0x66: {  	_ =	shalt  }
0x67: {  	_ =	shalt  }
0x68: {  	_ =	shalt  }
0x69: {  	_ =	shalt  }
0x6a: {  	_ =	shalt  }
0x6b: {  	_ =	shalt  }
0x6c: {  	_ =	shalt  }
0x6d: {  	_ =	shalt  }
0x6e: {  	_ =	shalt  }
0x6f: {  	_ =	shalt  }
0x70: {  	_ =	shalt  }
0x71: {  	_ =	shalt  }
0x72: {  	_ =	shalt  }
0x73: {  	_ =	shalt  }
0x74: {  	_ =	shalt  }
0x75: {  	_ =	shalt  }
0x76: {  	_ =	shalt  }
0x77: {  	_ =	shalt  }
0x78: {  	_ =	shalt  }
0x79: {  	_ =	shalt  }
0x7a: {  	_ =	shalt  }
0x7b: {  	_ =	shalt  }
0x7c: {  	_ =	shalt  }
0x7d: {  	_ =	shalt  }
0x7e: {  	_ =	shalt  }
0x7f: {  	_ =	shalt  }
0x80: {  	_ =	shalt  }
0x81: {  	_ =	shalt  }
0x82: {  	_ =	shalt  }
0x83: {  	_ =	shalt  }
0x84: {  	_ =	shalt  }
0x85: {  	_ =	shalt  }
0x86: {  	_ =	shalt  }
0x87: {  	_ =	shalt  }
.Lfunc_end0:
.L_simem_size_0:
called_computation_lowered:
.L_overlay_start_0:
0x88: {  	s0 =	sld [smem:$0x3FD9]  }
0x89: {  	s1 =	sld [smem:$0x3FFE];
	_ =	sdelay $0x3  }
0x8a: {  	s0 =	sadd.s32 s1, s0  }
0x8b: {  	[smem:$0x3FC5] =	sst s0  }
0x8c: {  	_ = 	snop  }
0x8d: {  	s0 =	sld [smem:$0x3FC9]  }
0x8e: {  	s17 =	sld [smem:$0x3FC8]  }
0x8f: {  	s2 =	sld [smem:$0x3FC7]  }
0x90: {  	s3 =	sld [smem:$0x3FD0];
	(tm) =	ssettm $0x1  }
0x91: {  	s4 =	sld [smem:$0x3FFB];
	_ =	sdelay $0x3  }
0x92: {  	_ =	strace s4  }
0x93: {  	s4 =	sld [smem:$0x3FFC];
	_ =	sdelay $0x3  }
0x94: {  	_ =	strace s4  }
0x95: {  	s4 =	sld [smem:$0x3FFD];
	_ =	sdelay $0x3  }
0x96: {  	_ =	strace s4  }
0x97: {  	_ =	strace $0x8FFFFFFF  }
0x98: {  	s18 =	sld [smem:$0x3FDB];
	_ =	sdelay $0x1  }
0x99: {  	s5 =	simm.s32 $_scs_section_size  }
0x9a: {  	s6 =	simm.s32 $_size__tile_overlayer_lowered;
	s7 =	simm.s32 $_tile_overlayer_lowered  }
0x9b: {  	s21 =	simm.s32 $0x1BFF;
	s20 =	sshll.u32 s7, $0x1;
	s4 =	sadd.s32 s5, s18  }
0x9c: {  	s8 =	simm.s32 $0x0;
	s19 =	sshll.u32 s6, $0x1;
	s6 =	sadd.s32 s20, s4  }
0x9d: {  	[timem:s8], [sflag:s21] =	dma.local [hbm:s6], s19  }
0x9e: {  	_ =	swait.ge [sflag:s21], s19  }
0x9f: {  	s5 =	ssub.s32 $0x0, s19;
	[sflag:s21] =	ssyncset.done $0x0  }
0xa0: {  	[sflag:s21] =	ssyncadd.s32 s5;
	_ =	sdelay $0x1  }
0xa1: {  	s22 =	simm.s32 $0x1B8B  }
0xa2: {  	_ =	swait.ge [sflag:s22], $0x1  }
0xa3: {  	[sflag:s22] =	ssyncset.done $0x0  }
0xa4: {  	s23 =	simm.s32 $0x1B8E;
	[sflag:s22] =	ssyncadd.s32 $0xFFFFFFFF  }
0xa5: {  	s24 =	simm.s32 $execute0_lowered;
	[smem:$0x3FD2] =	sst s23  }
0xa6: {  	s5 =	sshll.u32 s24, $0x1;
	_ =	strace $0x80000046;
	[dreg:$0x1] =	wrdreg $0xFFFFFFFF  }
0xa7: {  	s25 =	simm.s32 $_size_execute0_lowered;
	s4 =	sadd.s32 s4, s5;
	[dreg:$0x0] =	wrdreg $0x0  }
0xa8: {  	s5 =	sshll.u32 s25, $0x1;
	[dreg:$0x2] =	wrdreg s4  }
0xa9: {  	[dreg:$0x3] =	wrdreg s5  }
0xaa: {  	[dreg:$0x4] =	wrdreg $0xC0  }
0xab: {  	_ =	task [dreg:s8], $0x5FFFF  }
0xac: {  	[dreg:$0x1] =	wrdreg $0xFFFFFFFF  }
0xad: {  	[dreg:$0x0] =	wrdreg $0x60  }
0xae: {  	[dreg:$0x2] =	wrdreg s0  }
0xaf: {  	[dreg:$0x3] =	wrdreg s17  }
0xb0: {  	[dreg:$0x4] =	wrdreg s2  }
0xb1: {  	[dreg:$0x5] =	wrdreg s3  }
0xb2: {  	[dreg:$0x6] =	wrdreg $0x9  }
0xb3: {  	_ =	task.clear_ibuf [dreg:s8], $0x7FFFF;
	_ =	strace $0x90000046  }
0xb4: {  	s26 =	simm.s32 $0x9;
	_ =	strace $0x80000048  }
0xb5: {  	_ =	swait.ge [sflag:s26], $0x1  }
0xb6: {  	[sflag:s26] =	ssyncadd.s32 $0xFFFFFFFF  }
0xb7: {  	_ =	strace $0x90000048  }
0xb8: {  	_ =	sfence  }
0xb9: {  	s28 =	sld [smem:$0x0];
	_ =	sdelay $0x1  }
0xba: {  	s29 =	srdreg.scid  }
0xbb: {  	s30 =	sshll.u32 s29, $0xD;
	s31 =	sshrl.u32 s29, $0x2  }
0xbc: {  	s1 =	sand.u32 $0x1, s29;
	s2 =	sand.u32 $0x4000, s30;
	s0 =	sadd.s32 s31, s28  }
0xbd: {  	s1 =	sor.u32 s2, s1;
	s0 =	sshll.u32 s0, $0x11  }
0xbe: {  	s0 =	sor.u32 s0, s1  }
0xbf: {  	s0 =	sadd.s32 $0x8F2B, s0  }
0xc0: {  	[sflag:s0] =	ssyncadd.remote.s32 $0x1  }
0xc1: {  	_ =	sfence.sel $0xFFFF  }
0xc2: {  	[dreg:$0x0] =	wrdreg $0xFFFFFFFF;
	(pc) =	sbr.abs _section_cstart, $3  }
0xc3: {  	[dreg:$0x1] =	wrdreg $0xFFFFFFFF  }
0xc4: {  	_ =	task.clear_ibuf [dreg:s8], $0x2FFFF;
	_ =	strace $0x9FFFFFFF  }
0xc5: {  	(tm) =	ssettm $0x7FFFFFFF  }
tec
execute0_lowered:
.L_overlay_start_1:
0x0: {  	(tag) =	ssettag $0x1  }
0x1: {  	s4 =	rddreg [dreg:$0x0]  }
0x2: {  	s5 =	rddreg [dreg:$0x1]  }
0x3: {  	s6 =	rddreg [dreg:$0x2]  }
0x4: {  	s2 =	rddreg [dreg:$0x3];
	s7 =	simm.s32 $0x0;
	s1 =	stileid.u32  }
0x5: {  	[smem:$0x7FF] =	sst s7;
	s3 =	sshll.u32 s1, $0x7  }
0x6: {  	s0 =	rddreg [dreg:$0x4];
	_ =	strace $0x80000047;
	s4 =	sadd.s32 s4, s3  }
0x7: {  	[tilespmem:s7], [sflag:$0x1] =	stream.linear.gather [hbm4b:s4+s7], $0x400, $0x38;
	[tilespmem:$0x500] =	vst v63  }
0x8: {  	s31 =	simm.s32 $0x400  }
0x9: {  	[tilespmem:s31], [sflag:$0x2] =	stream.linear.gather [hbm4b:s5+s7], $0xA, $0x38;
	[tilespmem:$0x500] =	vst v63  }
0xa: {  	s8 =	simm.s32 $0x2;
	s5 =	simm.s32 $0x480  }
0xb: {  	[tilespmem:s5], [sflag:$0x3] =	stream.linear.gather [hbm4b:s6+s7], $0xA, $0x38;
	[tilespmem:$0x500] =	vst v63  }
0xc: {  	_ =	swait.ge [sflag:s8], $0xA  }
0xd: {  	[sflag:s8] =	ssyncset.done $0x0  }
0xe: {  	s9 =	simm.s32 $0x3;
	[sflag:s8] =	ssyncadd.s32 $0xFFFFFFF6  }
0xf: {  	_ =	swait.ge [sflag:s9], $0xA  }
0x10: {  	[sflag:s9] =	ssyncset.done $0x0  }
0x11: {  	[sflag:s9] =	ssyncadd.s32 $0xFFFFFFF6  }
0x12: {  	v0 =	vld [tilespmem:$0x480]  }
0x13: {  	v1 =	vld [tilespmem:$0x400];
	_ =	sdelay $0x3  }
0x14: {  	(v2sf) =	vpush v0, $0x0  }
0x15: {  	(v2sf) =	vpush v1, $0x6  }
0x16: {  	(v2sf) =	vpush v0, $0x1  }
0x17: {  	(v2sf) =	vpush v1, $0x7  }
0x18: {  	(v2sf) =	vpush v0, $0x2  }
0x19: {  	(v2sf) =	vpush v1, $0x8  }
0x1a: {  	(v2sf) =	vpush v0, $0x3;
	_ =	sdelay $0x1  }
0x1b: {  	(v2sf) =	vpush v1, $0x9  }
0x1c: {  	(v2sf) =	vpush v0, $0x4  }
0x1d: {  	(v2sf) =	vpush v1, $0x0  }
0x1e: {  	(v2sf) =	vpush v0, $0x5;
	_ =	sdelay $0x1  }
0x1f: {  	(v2sf) =	vpush v1, $0x1  }
0x20: {  	(v2sf) =	vpush v0, $0x6  }
0x21: {  	s10 =	spop (v2sf);
	(v2sf) =	vpush v1, $0x5  }
0x22: {  	s11 =	spop (v2sf);
	(v2sf) =	vpush v0, $0x7  }
0x23: {  	s12 =	spop (v2sf);
	(v2sf) =	vpush v1, $0x2  }
0x24: {  	s13 =	spop (v2sf);
	(v2sf) =	vpush v0, $0x8  }
0x25: {  	s4 =	smul.f32 s10, s11;
	s8 =	spop (v2sf);
	(v2sf) =	vpush v1, $0x3  }
0x26: {  	s6 =	smul.f32 s12, s13;
	s9 =	spop (v2sf);
	(v2sf) =	vpush v0, $0x9  }
0x27: {  	s14 =	spop (v2sf);
	(v2sf) =	vpush v1, $0x4  }
0x28: {  	s4 =	sadd.f32 s6, s4;
	s16 =	smul.f32 s8, s9  }
0x29: {  	s15 =	spop (v2sf)  }
0x2a: {  	s10 =	spop (v2sf);
	s4 =	sadd.f32 s4, s16  }
0x2b: {  	s5 =	smul.f32 s14, s15;
	s17 =	spop (v2sf)  }
0x2c: {  	s18 =	spop (v2sf)  }
0x2d: {  	s4 =	sadd.f32 s4, s5;
	s21 =	smul.f32 s10, s17  }
0x2e: {  	s19 =	spop (v2sf)  }
0x2f: {  	s20 =	spop (v2sf);
	s4 =	sadd.f32 s4, s21  }
0x30: {  	s6 =	smul.f32 s18, s19;
	s22 =	spop (v2sf)  }
0x31: {  	s23 =	spop (v2sf)  }
0x32: {  	s4 =	sadd.f32 s4, s6;
	s24 =	spop (v2sf)  }
0x33: {  	s26 =	smul.f32 s20, s22;
	s25 =	spop (v2sf)  }
0x34: {  	s28 =	spop (v2sf)  }
0x35: {  	s4 =	sadd.f32 s4, s26;
	s29 =	spop (v2sf)  }
0x36: {  	s31 =	simm.s32 $0x1;
	s5 =	smul.f32 s23, s24;
	s30 =	spop (v2sf)  }
0x37: {  	_ =	swait.ge [sflag:s31], $0x400  }
0x38: {  	s5 =	sadd.f32 s4, s5;
	s7 =	smul.f32 s25, s28;
	[sflag:s31] =	ssyncset.done $0x0  }
0x39: {  	s4 =	simm.s32 $0x20;
	[sflag:s31] =	ssyncadd.s32 $0xFFFFFC00  }
0x3a: {  	s5 =	sadd.f32 s5, s7;
	s6 =	smul.f32 s29, s30;
	v1 =	vld [tilespmem:s4+$0xFFFFFFE0]  }
0x3b: {  	_ = 	snop  }
0x3c: {  	s5 =	sadd.f32 s5, s6  }
0x3d: {  	v2 =	vld [tilespmem:s4+$0x0]  }
0x3e: {  	v3 =	vld [tilespmem:s4+$0x10];
	v0 =	vmov s5  }
0x3f: {  	v4 =	vmul.f32 v1, v0;
	v1 =	vld [tilespmem:s4+$0xFFFFFFF0];
	_ =	sdelay $0x2  }
0x40: {  	v2 =	vmul.f32 v2, v0  }
0x41: {  	s6 =	simm.s32 $0x60;
	s5 =	simm.s32 $0x0;
	v3 =	vmul.f32 v3, v0;
	[tilespmem:s4+$0xFFFFFFE0] =	vst v4  }
.LBB2_1:
0x42: {  	v4 =	vld [tilespmem:s6+$0xFFFFFFE0];
	v1 =	vmul.f32 v1, v0;
	[tilespmem:s4+$0x0] =	vst v2  }
0x43: {  	s5 =	sadd.s32 $0x4, s5;
	v2 =	vld [tilespmem:s6+$0x0];
	[tilespmem:s4+$0x10] =	vst v3  }
0x44: {  	p0 =	slt.u32 s5, $0x3C;
	v3 =	vld [tilespmem:s6+$0x10];
	[tilespmem:s4+$0xFFFFFFF0] =	vst v1;
	s4 =	smov.u32 s6  }
.Ltmp0:
0x45: {  	v1 =	vld [tilespmem:s6+$0xFFFFFFF0];
	(pc) =	sbr.rel @p0 .LBB2_1-.Ltmp0, $4  }
0x46: {  	_ = 	snop  }
0x47: {  	v4 =	vmul.f32 v4, v0  }
0x48: {  	v2 =	vmul.f32 v2, v0  }
0x49: {  	s6 =	sadd.s32 $0x40, s6;
	[tilespmem:s4+$0xFFFFFFE0] =	vst v4;
	v3 =	vmul.f32 v3, v0  }
0x4a: {  	v0 =	vmul.f32 v1, v0;
	[tilespmem:s4+$0x0] =	vst v2  }
0x4b: {  	[tilespmem:s4+$0x10] =	vst v3  }
0x4c: {  	s2 =	sadd.s32 s2, s3;
	s30 =	simm.s32 $0x0;
	s31 =	simm.s32 $0x4;
	[tilespmem:s4+$0xFFFFFFF0] =	vst v0  }
0x4d: {  	[hbm4b:s2+s30] =	stream.linear.scatter [tilespmem:s30], [sflag:$0x4], $0x400, $0x38;
	[tilespmem:$0x500] =	vst v63  }
0x4e: {  	_ =	swait.ge [sflag:s31], $0x400  }
0x4f: {  	[sflag:s31] =	ssyncset.done $0x0  }
0x50: {  	[sflag:s31] =	ssyncadd.s32 $0xFFFFFC00  }
0x51: {  	_ =	sfence.sel $0x180000  }
0x52: {  	[bflag:$0x0] =	sbarrier.arrive $0xFFFF  }
0x53: {  	p0 =	sne.s32 s1, $0x0;
	_ =	strace $0x90000047  }
0x54: {  	s0 =	sadd.s32 @!p0 $0x100000, s0;
	[bflag:$0x2] =	sbarrier.arrive $0xFFFF  }
0x55: {  	[sflag:s0] =	ssyncadd.tile.s32 @!p0 $0x1;
	_ =	shalt  }
.Lfunc_end2:
_tile_overlayer_lowered:
.L_overlay_start_2:
0x56: {  	(tag) =	ssettag $0x2  }
0x57: {  	s0 =	rddreg [dreg:$0x0];
	s2 =	stileid.u32  }
0x58: {  	s1 =	rddreg [dreg:$0x1];
	p0 =	sne.s32 s2, $0x0  }
0x59: {  	s3 =	rddreg [dreg:$0x2];
	[bflag:$0x3] =	sbarrier.arrive $0xFFFF;
	s2 =	simm.s32 @!p0 $0x1C04  }
0x5a: {  	[timem:s3], [sflag:s2] =	dma.local @!p0 [hbm:s0], s1  }
0x5b: {  	s0 =	simm.s32 @!p0 $0x4  }
0x5c: {  	_ =	swait.ge @!p0 [sflag:s0], s1  }
0x5d: {  	s1 =	ssub.s32 @!p0 $0x0, s1;
	[sflag:s0] =	ssyncset.done @!p0 $0x0  }
0x5e: {  	[sflag:s0] =	ssyncadd.s32 @!p0 s1  }
0x5f: {  	[bflag:$0x3] =	sbarrier.arrive $0xFFFF  }
0x60: {  	_ =	shalt  }

</sc_bundles>
